<compile_context>
chip_gen: v7x
topology: tpu7x:2x2x1
jax: 0.10.2.dev20260603
libtpu: 0.0.44.dev20260713+nightly
codegen_flags: <defaults>
</compile_context>

<pallas_src>
import functools

import jax
import jax.numpy as jnp
from jax import lax
from jax.experimental import pallas as pl
from jax.experimental.pallas import tpu as pltpu
from jax.experimental.pallas import tpu_sc as plsc

B, N, D, DFF, V = 256, 512, 256, 512, 100000

SC_NC, SC_NS = 2, 16
SC_NW = SC_NC * SC_NS


def _sc_gather_rows(table, idx):
    n, d = idx.shape[0], table.shape[1]
    b_per_w = n // SC_NW
    mesh = plsc.VectorSubcoreMesh(core_axis_name="c", subcore_axis_name="s")

    @functools.partial(
        pl.kernel,
        out_type=jax.ShapeDtypeStruct((n, d), jnp.float32),
        mesh=mesh,
        scratch_types=[
            pltpu.VMEM((b_per_w,), jnp.int32),
            pltpu.VMEM((b_per_w, d), jnp.float32),
            pltpu.SemaphoreType.DMA,
        ],
    )
    def gather_kernel(table_hbm, idx_hbm, out_hbm, idx_v, rows_v, sem):
        wid = lax.axis_index("s") * SC_NC + lax.axis_index("c")
        base = wid * b_per_w
        pltpu.sync_copy(idx_hbm.at[pl.ds(base, b_per_w)], idx_v)
        pltpu.async_copy(table_hbm.at[idx_v], rows_v, sem).wait()
        pltpu.sync_copy(rows_v, out_hbm.at[pl.ds(base, b_per_w)])

    return gather_kernel(table, idx)


def _masked_sum_kernel(maskf_ref, eh_ref, out_ref):
    i = pl.program_id(0)

    @pl.when(i == 0)
    def _():
        out_ref[...] = jnp.zeros_like(out_ref)

    out_ref[...] += jnp.dot(
        maskf_ref[...], eh_ref[...], preferred_element_type=jnp.float32, precision=jax.lax.Precision.HIGHEST
    )


def _masked_sum(maskf_row, eh2d, block_rows, interpret=False):
    total = eh2d.shape[0]
    nb = total // block_rows
    return pl.pallas_call(
        _masked_sum_kernel,
        grid=(nb,),
        in_specs=[
            pl.BlockSpec((1, block_rows), lambda i: (0, i)),
            pl.BlockSpec((block_rows, D), lambda i: (i, 0)),
        ],
        out_specs=pl.BlockSpec((1, D), lambda i: (0, 0)),
        out_shape=jax.ShapeDtypeStruct((1, D), jnp.float32),
        interpret=interpret,
    )(maskf_row, eh2d)


def _bdot(a, b):
    return jnp.dot(a.astype(jnp.bfloat16), b.astype(jnp.bfloat16),
                   preferred_element_type=jnp.float32)


def _mlp_kernel(eq0_ref, wf1_ref, bf1_ref, wf2_ref, bf2_ref, wa_ref, h_ref,
                s_ref, x_ref):
    eq1 = jnp.maximum(_bdot(eq0_ref[...], wf1_ref[...]) + bf1_ref[...], 0.0)
    q = _bdot(eq1, wf2_ref[...]) + bf2_ref[...]
    qw = _bdot(q, wa_ref[...])
    u = qw * s_ref[...]
    x_ref[...] = q + _bdot(h_ref[...], u)


def _mlp(eq0, w_fc1, b_fc1, w_fc2, b_fc2, w_attn, h, s_row, interpret=False):
    return pl.pallas_call(
        _mlp_kernel,
        out_shape=jax.ShapeDtypeStruct((B, D), jnp.float32),
        interpret=interpret,
    )(eq0, w_fc1, b_fc1.reshape(1, DFF), w_fc2, b_fc2.reshape(1, D), w_attn,
      h, s_row)


def _softmax_kernel(x_ref, w_ref, b_ref, out_ref, s_ref, *, nt):
    p = pl.program_id(0)
    j = pl.program_id(1)

    b = b_ref[...]
    logits = jnp.where(b > -1e29, _bdot(x_ref[...], w_ref[...]) + b, -1e30)

    @pl.when(p == 0)
    def _pass_stats():
        @pl.when(j == 0)
        def _():
            s_ref[...] = jnp.zeros_like(s_ref)

        s_ref[...] += jnp.sum(jnp.exp(logits), axis=1, keepdims=True)

        @pl.when(j == nt - 1)
        def _():
            s_ref[...] = 1.0 / s_ref[...]

    @pl.when(p == 1)
    def _pass_write():
        out_ref[...] = jnp.exp(logits) * s_ref[:, :1]


def _softmax_matmul(x, w_sm, b_pad_row, tv, interpret=False):
    nt = b_pad_row.shape[1] // tv
    kern = functools.partial(_softmax_kernel, nt=nt)
    return pl.pallas_call(
        kern,
        grid=(2, nt),
        in_specs=[
            pl.BlockSpec((B, D), lambda p, j: (0, 0)),
            pl.BlockSpec((D, tv), lambda p, j: (0, j)),
            pl.BlockSpec((1, tv), lambda p, j: (0, j)),
        ],
        out_specs=pl.BlockSpec((B, tv), lambda p, j: (0, jnp.where(p == 0, 0, j))),
        out_shape=jax.ShapeDtypeStruct((B, V), jnp.float32),
        scratch_shapes=[
            pltpu.VMEM((B, 1), jnp.float32),
        ],
        interpret=interpret,
    )(x, w_sm, b_pad_row)


def kernel(entity_hiddens, question, keys_mask, W_emb, W_fc1, b_fc1, W_fc2,
           b_fc2, W_attn, H, W_sm, b_sm):
    eq0 = _sc_gather_rows(W_emb, question)
    maskf_row = keys_mask.astype(jnp.float32).reshape(1, B * N)
    eh2d = entity_hiddens.reshape(B * N, D)
    s_row = _masked_sum(maskf_row, eh2d, block_rows=8192)
    x = _mlp(eq0, W_fc1, b_fc1, W_fc2, b_fc2, W_attn, H, s_row)
    tv = 2048
    vpad = ((V + tv - 1) // tv) * tv
    b_pad = jnp.concatenate(
        [b_sm.reshape(1, V), jnp.full((1, vpad - V), -1e30, jnp.float32)], axis=1
    )
    return _softmax_matmul(x, W_sm, b_pad, tv=tv)

# --- scband reference (transcript-rebuilt; emitter-appended) ---
"""Pipeline reference for scband-recurrent-entitiy-decoder-54382875902324 (READ-ONLY COPY).

The authoritative reference and input builder live on the scoring server;
editing this copy changes nothing except your own understanding.
"""

import jax, jax.numpy as jnp
import numpy as np

B, N, D, DFF, V = 256, 512, 256, 512, 100000

def setup_inputs(seed: int = 0) -> dict:
    key = jax.random.key(seed)
    ks = jax.random.split(key, 11)
    entity_hiddens = jax.random.normal(ks[0], (B, N, D), dtype=jnp.float32)
    question = jax.random.randint(ks[1], (B,), 0, V, dtype=jnp.int32)
    keys_mask = jax.random.randint(ks[2], (B, N), 0, 2, dtype=jnp.int32).astype(bool)
    W_emb = 0.05 * jax.random.normal(ks[3], (V, D), dtype=jnp.float32)
    W_fc1 = 0.05 * jax.random.normal(ks[4], (D, DFF), dtype=jnp.float32)
    b_fc1 = jnp.zeros((DFF,), jnp.float32)
    W_fc2 = 0.05 * jax.random.normal(ks[5], (DFF, D), dtype=jnp.float32)
    b_fc2 = jnp.zeros((D,), jnp.float32)
    W_attn = 0.05 * jax.random.normal(ks[6], (D, D), dtype=jnp.float32)
    H = 0.05 * jax.random.normal(ks[7], (D, D), dtype=jnp.float32)
    W_sm = 0.05 * jax.random.normal(ks[8], (D, V), dtype=jnp.float32)
    b_sm = jnp.zeros((V,), jnp.float32)
    return {"entity_hiddens": entity_hiddens, "question": question, "keys_mask": keys_mask,
            "W_emb": W_emb, "W_fc1": W_fc1, "b_fc1": b_fc1, "W_fc2": W_fc2, "b_fc2": b_fc2,
            "W_attn": W_attn, "H": H, "W_sm": W_sm, "b_sm": b_sm}

def reference(entity_hiddens, question, keys_mask, W_emb, W_fc1, b_fc1, W_fc2, b_fc2, W_attn, H, W_sm, b_sm):
    # get_embeddings: tf.nn.embedding_lookup -> gather rows
    eq0 = jnp.take(W_emb, question, axis=0)            # [B, D]
    eq1 = jax.nn.relu(eq0 @ W_fc1 + b_fc1)             # fc1
    q = eq1 @ W_fc2 + b_fc2                            # fc2 -> query [B, D]
    # attention_entities: the returned value is
    #   reduce_sum(expand_dims(q @ W_attn, 1) * boolean_mask(entities, mask), axis=1)
    # where boolean_mask flattens (B,N) -> nnz rows; broadcasting [B,1,D]*[nnz,D]
    # then summing axis=1 equals (q @ W_attn) * sum_over_masked_entities.
    qW = q @ W_attn                                    # [B, D]
    S = jnp.sum(entity_hiddens * keys_mask[:, :, None].astype(entity_hiddens.dtype), axis=(0, 1))  # [D]
    u = qW * S[None, :]                                # [B, D]
    # output = softmax_layer(q + H @ u)  (tf.matmul(H, u): [D,D]@[B,D], valid since B==D)
    logits = (q + H @ u) @ W_sm + b_sm                 # [B, V]
    return jax.nn.softmax(logits, axis=-1)

if __name__ == "__main__":
    import jax
    _d = setup_inputs()
    print(jax.jit(kernel)(*tuple(_d.values())))

</pallas_src>

<mosaic_0001>
#map = affine_map<(d0, d1) -> (0, 0)>
#map1 = affine_map<(d0, d1) -> (0)>
module attributes {stable_mosaic.version = 14 : i64} {
  func.func @gather_kernel(%arg0: i32, %arg1: i32, %arg2: memref<100000x256xf32, #tpu.memory_space<hbm>>, %arg3: memref<256xi32, #tpu.memory_space<hbm>>, %arg4: memref<256x256xf32, #tpu.memory_space<hbm>>, %arg5: memref<8xi32, #tpu.memory_space<vmem>>, %arg6: memref<8x256xf32, #tpu.memory_space<vmem>>, %arg7: memref<!tpu.dma_semaphore, #tpu.memory_space<semaphore_mem>>) attributes {dimension_semantics = [#tpu.dimension_semantics<core_parallel>, #tpu.dimension_semantics<subcore_parallel>], iteration_bounds = array<i64: 2, 16>, scalar_prefetch = 0 : i64, scratch_operands = 3 : i64, tpu.core_type = #tpu.core_type<sc_vector_subcore>, window_params = [{transform_indices = #map}, {transform_indices = #map1}, {transform_indices = #map}]} {
    %mul3A = arith.constant 2 : i32
    %mul3A_0 = arith.muli %arg1, %mul3A : i32
    %add3A = arith.addi %mul3A_0, %arg0 : i32
    %mul3A_1 = arith.constant 8 : i32
    %mul3A_2 = arith.muli %add3A, %mul3A_1 : i32
    "tpu.region"() ({
      %run_scoped3A = tpu.sem_alloc : memref<!tpu.dma_semaphore, #tpu.memory_space<semaphore_mem>>
      %dma_start3A_7 = tpu.memref_slice %arg3[%mul3A_2] : memref<256xi32, #tpu.memory_space<hbm>> -> memref<8xi32, #tpu.memory_space<hbm>>
      %dma_start3A_8 = tpu.memref_slice %arg3[%mul3A_2] : memref<256xi32, #tpu.memory_space<hbm>> -> memref<8xi32, #tpu.memory_space<hbm>>
      tpu.enqueue_dma source(%dma_start3A_8 : memref<8xi32, #tpu.memory_space<hbm>>) target(%arg5 : memref<8xi32, #tpu.memory_space<vmem>>) target_semaphore(%run_scoped3A : memref<!tpu.dma_semaphore, #tpu.memory_space<semaphore_mem>>)
      %dma_wait3A_9 = tpu.memref_slice %arg3[%mul3A_2] : memref<256xi32, #tpu.memory_space<hbm>> -> memref<8xi32, #tpu.memory_space<hbm>>
      %dma_wait3A_10 = tpu.memref_slice %arg3[%mul3A_2] : memref<256xi32, #tpu.memory_space<hbm>> -> memref<8xi32, #tpu.memory_space<hbm>>
      tpu.wait_dma2 semaphore(%run_scoped3A : memref<!tpu.dma_semaphore, #tpu.memory_space<semaphore_mem>>) src(%dma_wait3A_10 : memref<8xi32, #tpu.memory_space<hbm>>) dst(%arg5 : memref<8xi32, #tpu.memory_space<vmem>>)
      tpu.yield
    }) : () -> ()
    %dma_start3A = arith.constant 0 : i32
    %dma_start3A_3 = arith.constant 0 : i32
    %dma_start3A_4 = tpu.memref_slice %arg2[%dma_start3A, %dma_start3A_3] : memref<100000x256xf32, #tpu.memory_space<hbm>> -> memref<100000x256xf32, #tpu.memory_space<hbm>>
    tpu.enqueue_indirect_dma source(%dma_start3A_4 : memref<100000x256xf32, #tpu.memory_space<hbm>>) target(%arg6 : memref<8x256xf32, #tpu.memory_space<vmem>>) offsets(%arg5 : memref<8xi32, #tpu.memory_space<vmem>>) semaphore(%arg7 : memref<!tpu.dma_semaphore, #tpu.memory_space<semaphore_mem>>)
    %dma_wait3A = arith.constant 0 : i32
    %dma_wait3A_5 = arith.constant 0 : i32
    %dma_wait3A_6 = tpu.memref_slice %arg2[%dma_wait3A, %dma_wait3A_5] : memref<100000x256xf32, #tpu.memory_space<hbm>> -> memref<100000x256xf32, #tpu.memory_space<hbm>>
    tpu.wait_indirect_dma semaphore(%arg7 : memref<!tpu.dma_semaphore, #tpu.memory_space<semaphore_mem>>) src(%dma_wait3A_6 : memref<100000x256xf32, #tpu.memory_space<hbm>>) dst(%arg6 : memref<8x256xf32, #tpu.memory_space<vmem>>)
    "tpu.region"() ({
      %run_scoped3A = tpu.sem_alloc : memref<!tpu.dma_semaphore, #tpu.memory_space<semaphore_mem>>
      %dma_start3A_7 = arith.constant 0 : i32
      %dma_start3A_8 = tpu.memref_slice %arg4[%mul3A_2, %dma_start3A_7] : memref<256x256xf32, #tpu.memory_space<hbm>> -> memref<8x256xf32, #tpu.memory_space<hbm>>
      %dma_start3A_9 = arith.constant 0 : i32
      %dma_start3A_10 = tpu.memref_slice %arg4[%mul3A_2, %dma_start3A_9] : memref<256x256xf32, #tpu.memory_space<hbm>> -> memref<8x256xf32, #tpu.memory_space<hbm>>
      tpu.enqueue_dma source(%arg6 : memref<8x256xf32, #tpu.memory_space<vmem>>) target(%dma_start3A_10 : memref<8x256xf32, #tpu.memory_space<hbm>>) target_semaphore(%run_scoped3A : memref<!tpu.dma_semaphore, #tpu.memory_space<semaphore_mem>>)
      %dma_wait3A_11 = arith.constant 0 : i32
      %dma_wait3A_12 = tpu.memref_slice %arg4[%mul3A_2, %dma_wait3A_11] : memref<256x256xf32, #tpu.memory_space<hbm>> -> memref<8x256xf32, #tpu.memory_space<hbm>>
      %dma_wait3A_13 = arith.constant 0 : i32
      %dma_wait3A_14 = tpu.memref_slice %arg4[%mul3A_2, %dma_wait3A_13] : memref<256x256xf32, #tpu.memory_space<hbm>> -> memref<8x256xf32, #tpu.memory_space<hbm>>
      tpu.wait_dma2 semaphore(%run_scoped3A : memref<!tpu.dma_semaphore, #tpu.memory_space<semaphore_mem>>) src(%arg6 : memref<8x256xf32, #tpu.memory_space<vmem>>) dst(%dma_wait3A_14 : memref<8x256xf32, #tpu.memory_space<hbm>>)
      tpu.yield
    }) : () -> ()
    return
  }
}

module attributes {stable_mosaic.version = 14 : i64} {
  func.func @_masked_sum_kernel(%arg0: i32, %arg1: memref<1x8192xf32, #tpu.memory_space<vmem>>, %arg2: memref<8192x256xf32, #tpu.memory_space<vmem>>, %arg3: memref<1x256xf32, #tpu.memory_space<vmem>>) attributes {dimension_semantics = [#tpu.dimension_semantics<arbitrary>], iteration_bounds = array<i64: 16>, scalar_prefetch = 0 : i64, scratch_operands = 0 : i64, tpu.core_type = #tpu.core_type<tc>, window_params = [{transform_indices = @transform_0, window_bounds = array<i64: 1, 8192>}, {transform_indices = @transform_1, window_bounds = array<i64: 8192, 256>}, {pipeline_mode = #tpu.pipeline_mode<synchronous>, transform_indices = @transform_2, window_bounds = array<i64: 1, 256>}]} {
    %eq3A = arith.constant 0 : i32
    %eq3A_0 = arith.cmpi eq, %arg0, %eq3A : i32
    %convert_element_type3A = arith.extui %eq3A_0 : i1 to i32
    %cond3A = arith.constant 0 : i32
    %cond3A_1 = arith.cmpi ne, %convert_element_type3A, %cond3A : i32
    scf.if %cond3A_1 {
      %broadcast_in_dim3A = arith.constant 0.000000e+00 : f32
      %broadcast_in_dim3A_13 = vector.broadcast %broadcast_in_dim3A : f32 to vector<1x256xf32>
      %swap3A_14 = arith.constant 0 : index
      %swap3A_15 = arith.constant 0 : index
      %swap3A_16 = vector.load %arg3[%swap3A_14, %swap3A_15] : memref<1x256xf32, #tpu.memory_space<vmem>>, vector<1x256xf32>
      tpu.vector_store %arg3[%swap3A_14, %swap3A_15], %broadcast_in_dim3A_13 {strides = array<i32>} : memref<1x256xf32, #tpu.memory_space<vmem>>, vector<1x256xf32>,
    } else {
    }
    %get3A = arith.constant 0 : index
    %get3A_2 = arith.constant 0 : index
    %get3A_3 = vector.load %arg3[%get3A, %get3A_2] : memref<1x256xf32, #tpu.memory_space<vmem>>, vector<1x256xf32>
    %get3A_4 = arith.constant 0 : index
    %get3A_5 = arith.constant 0 : index
    %get3A_6 = vector.load %arg1[%get3A_4, %get3A_5] : memref<1x8192xf32, #tpu.memory_space<vmem>>, vector<1x8192xf32>
    %get3A_7 = arith.constant 0 : index
    %get3A_8 = arith.constant 0 : index
    %get3A_9 = vector.load %arg2[%get3A_7, %get3A_8] : memref<8192x256xf32, #tpu.memory_space<vmem>>, vector<8192x256xf32>
    %dot_general3A = arith.constant dense<0.000000e+00> : vector<1x256xf32>
    %dot_general3A_10 = tpu.matmul %get3A_6, %get3A_9, %dot_general3A {dimension_numbers = #tpu.dot_dimension_numbers<[1], [0], [0], [1], [0, 0, 1, 1], [], []>, precision = #tpu.contract_precision<fp32>, transpose_lhs_hint = false} : vector<1x8192xf32>, vector<8192x256xf32>, vector<1x256xf32> -> vector<1x256xf32>
    %add3A = arith.addf %get3A_3, %dot_general3A_10 : vector<1x256xf32>
    %swap3A = arith.constant 0 : index
    %swap3A_11 = arith.constant 0 : index
    %swap3A_12 = vector.load %arg3[%swap3A, %swap3A_11] : memref<1x256xf32, #tpu.memory_space<vmem>>, vector<1x256xf32>
    tpu.vector_store %arg3[%swap3A, %swap3A_11], %add3A {strides = array<i32>} : memref<1x256xf32, #tpu.memory_space<vmem>>, vector<1x256xf32>,
    return
  }
  func.func @transform_0(%arg0: i32) -> (i32, i32) {
    %c0_i32 = arith.constant 0 : i32
    %c0_i32_0 = arith.constant 0 : i32
    return %c0_i32, %arg0 : i32, i32
  }
  func.func @transform_1(%arg0: i32) -> (i32, i32) {
    %c0_i32 = arith.constant 0 : i32
    %c0_i32_0 = arith.constant 0 : i32
    return %arg0, %c0_i32 : i32, i32
  }
  func.func @transform_2(%arg0: i32) -> (i32, i32) {
    %c0_i32 = arith.constant 0 : i32
    %c0_i32_0 = arith.constant 0 : i32
    %c0_i32_1 = arith.constant 0 : i32
    return %c0_i32, %c0_i32_0 : i32, i32
  }
}

module attributes {stable_mosaic.version = 14 : i64} {
  func.func @_mlp_kernel(%arg0: memref<256x256xf32, #tpu.memory_space<vmem>>, %arg1: memref<256x512xf32, #tpu.memory_space<vmem>>, %arg2: memref<1x512xf32, #tpu.memory_space<vmem>>, %arg3: memref<512x256xf32, #tpu.memory_space<vmem>>, %arg4: memref<1x256xf32, #tpu.memory_space<vmem>>, %arg5: memref<256x256xf32, #tpu.memory_space<vmem>>, %arg6: memref<256x256xf32, #tpu.memory_space<vmem>>, %arg7: memref<1x256xf32, #tpu.memory_space<vmem>>, %arg8: memref<256x256xf32, #tpu.memory_space<vmem>>) attributes {dimension_semantics = [], scalar_prefetch = 0 : i64, scratch_operands = 0 : i64, tpu.core_type = #tpu.core_type<tc>} {
    %get3A = arith.constant 0 : index
    %get3A_0 = arith.constant 0 : index
    %get3A_1 = vector.load %arg0[%get3A, %get3A_0] : memref<256x256xf32, #tpu.memory_space<vmem>>, vector<256x256xf32>
    %get3A_2 = arith.constant 0 : index
    %get3A_3 = arith.constant 0 : index
    %get3A_4 = vector.load %arg1[%get3A_2, %get3A_3] : memref<256x512xf32, #tpu.memory_space<vmem>>, vector<256x512xf32>
    %convert_element_type3A = arith.truncf %get3A_1 : vector<256x256xf32> to vector<256x256xbf16>
    %convert_element_type3A_5 = arith.truncf %get3A_4 : vector<256x512xf32> to vector<256x512xbf16>
    %dot_general3A = arith.constant dense<0.000000e+00> : vector<256x512xf32>
    %dot_general3A_6 = tpu.matmul %convert_element_type3A, %convert_element_type3A_5, %dot_general3A {dimension_numbers = #tpu.dot_dimension_numbers<[1], [0], [0], [1], [0, 0, 1, 1], [], []>, transpose_lhs_hint = false} : vector<256x256xbf16>, vector<256x512xbf16>, vector<256x512xf32> -> vector<256x512xf32>
    %get3A_7 = arith.constant 0 : index
    %get3A_8 = arith.constant 0 : index
    %get3A_9 = vector.load %arg2[%get3A_7, %get3A_8] : memref<1x512xf32, #tpu.memory_space<vmem>>, vector<1x512xf32>
    %add3A = vector.broadcast %get3A_9 : vector<1x512xf32> to vector<256x512xf32>
    %add3A_10 = arith.addf %dot_general3A_6, %add3A : vector<256x512xf32>
    %max3A = arith.constant 0.000000e+00 : f32
    %max3A_11 = vector.broadcast %max3A : f32 to vector<256x512xf32>
    %max3A_12 = arith.maximumf %add3A_10, %max3A_11 : vector<256x512xf32>
    %get3A_13 = arith.constant 0 : index
    %get3A_14 = arith.constant 0 : index
    %get3A_15 = vector.load %arg3[%get3A_13, %get3A_14] : memref<512x256xf32, #tpu.memory_space<vmem>>, vector<512x256xf32>
    %convert_element_type3A_16 = arith.truncf %max3A_12 : vector<256x512xf32> to vector<256x512xbf16>
    %convert_element_type3A_17 = arith.truncf %get3A_15 : vector<512x256xf32> to vector<512x256xbf16>
    %dot_general3A_18 = arith.constant dense<0.000000e+00> : vector<256x256xf32>
    %dot_general3A_19 = tpu.matmul %convert_element_type3A_16, %convert_element_type3A_17, %dot_general3A_18 {dimension_numbers = #tpu.dot_dimension_numbers<[1], [0], [0], [1], [0, 0, 1, 1], [], []>, transpose_lhs_hint = false} : vector<256x512xbf16>, vector<512x256xbf16>, vector<256x256xf32> -> vector<256x256xf32>
    %get3A_20 = arith.constant 0 : index
    %get3A_21 = arith.constant 0 : index
    %get3A_22 = vector.load %arg4[%get3A_20, %get3A_21] : memref<1x256xf32, #tpu.memory_space<vmem>>, vector<1x256xf32>
    %add3A_23 = vector.broadcast %get3A_22 : vector<1x256xf32> to vector<256x256xf32>
    %add3A_24 = arith.addf %dot_general3A_19, %add3A_23 : vector<256x256xf32>
    %get3A_25 = arith.constant 0 : index
    %get3A_26 = arith.constant 0 : index
    %get3A_27 = vector.load %arg5[%get3A_25, %get3A_26] : memref<256x256xf32, #tpu.memory_space<vmem>>, vector<256x256xf32>
    %convert_element_type3A_28 = arith.truncf %add3A_24 : vector<256x256xf32> to vector<256x256xbf16>
    %convert_element_type3A_29 = arith.truncf %get3A_27 : vector<256x256xf32> to vector<256x256xbf16>
    %dot_general3A_30 = arith.constant dense<0.000000e+00> : vector<256x256xf32>
    %dot_general3A_31 = tpu.matmul %convert_element_type3A_28, %convert_element_type3A_29, %dot_general3A_30 {dimension_numbers = #tpu.dot_dimension_numbers<[1], [0], [0], [1], [0, 0, 1, 1], [], []>, transpose_lhs_hint = false} : vector<256x256xbf16>, vector<256x256xbf16>, vector<256x256xf32> -> vector<256x256xf32>
    %get3A_32 = arith.constant 0 : index
    %get3A_33 = arith.constant 0 : index
    %get3A_34 = vector.load %arg7[%get3A_32, %get3A_33] : memref<1x256xf32, #tpu.memory_space<vmem>>, vector<1x256xf32>
    %mul3A = vector.broadcast %get3A_34 : vector<1x256xf32> to vector<256x256xf32>
    %mul3A_35 = arith.mulf %dot_general3A_31, %mul3A : vector<256x256xf32>
    %get3A_36 = arith.constant 0 : index
    %get3A_37 = arith.constant 0 : index
    %get3A_38 = vector.load %arg6[%get3A_36, %get3A_37] : memref<256x256xf32, #tpu.memory_space<vmem>>, vector<256x256xf32>
    %convert_element_type3A_39 = arith.truncf %get3A_38 : vector<256x256xf32> to vector<256x256xbf16>
    %convert_element_type3A_40 = arith.truncf %mul3A_35 : vector<256x256xf32> to vector<256x256xbf16>
    %dot_general3A_41 = arith.constant dense<0.000000e+00> : vector<256x256xf32>
    %dot_general3A_42 = tpu.matmul %convert_element_type3A_39, %convert_element_type3A_40, %dot_general3A_41 {dimension_numbers = #tpu.dot_dimension_numbers<[1], [0], [0], [1], [0, 0, 1, 1], [], []>, transpose_lhs_hint = false} : vector<256x256xbf16>, vector<256x256xbf16>, vector<256x256xf32> -> vector<256x256xf32>
    %add3A_43 = arith.addf %add3A_24, %dot_general3A_42 : vector<256x256xf32>
    %swap3A = arith.constant 0 : index
    %swap3A_44 = arith.constant 0 : index
    %swap3A_45 = vector.load %arg8[%swap3A, %swap3A_44] : memref<256x256xf32, #tpu.memory_space<vmem>>, vector<256x256xf32>
    tpu.vector_store %arg8[%swap3A, %swap3A_44], %add3A_43 {strides = array<i32>} : memref<256x256xf32, #tpu.memory_space<vmem>>, vector<256x256xf32>,
    return
  }
}

module attributes {stable_mosaic.version = 14 : i64} {
  func.func @_softmax_kernel(%arg0: i32, %arg1: i32, %arg2: memref<256x256xf32, #tpu.memory_space<vmem>>, %arg3: memref<256x2048xf32, #tpu.memory_space<vmem>>, %arg4: memref<1x2048xf32, #tpu.memory_space<vmem>>, %arg5: memref<256x2048xf32, #tpu.memory_space<vmem>>, %arg6: memref<256x1xf32, #tpu.memory_space<vmem>>) attributes {dimension_semantics = [#tpu.dimension_semantics<arbitrary>, #tpu.dimension_semantics<arbitrary>], iteration_bounds = array<i64: 2, 49>, scalar_prefetch = 0 : i64, scratch_operands = 1 : i64, tpu.core_type = #tpu.core_type<tc>, window_params = [{pipeline_mode = #tpu.pipeline_mode<synchronous>, transform_indices = @transform_0, window_bounds = array<i64: 256, 256>}, {transform_indices = @transform_1, window_bounds = array<i64: 256, 2048>}, {transform_indices = @transform_2, window_bounds = array<i64: 1, 2048>}, {transform_indices = @transform_3, window_bounds = array<i64: 256, 2048>}]} {
    %get3A = arith.constant 0 : index
    %get3A_0 = arith.constant 0 : index
    %get3A_1 = vector.load %arg4[%get3A, %get3A_0] : memref<1x2048xf32, #tpu.memory_space<vmem>>, vector<1x2048xf32>
    %gt3A = arith.constant -1.000000e+29 : f32
    %gt3A_2 = vector.broadcast %gt3A : f32 to vector<1x2048xf32>
    %gt3A_3 = arith.cmpf ogt, %get3A_1, %gt3A_2 : vector<1x2048xf32>
    %get3A_4 = arith.constant 0 : index
    %get3A_5 = arith.constant 0 : index
    %get3A_6 = vector.load %arg2[%get3A_4, %get3A_5] : memref<256x256xf32, #tpu.memory_space<vmem>>, vector<256x256xf32>
    %get3A_7 = arith.constant 0 : index
    %get3A_8 = arith.constant 0 : index
    %get3A_9 = vector.load %arg3[%get3A_7, %get3A_8] : memref<256x2048xf32, #tpu.memory_space<vmem>>, vector<256x2048xf32>
    %convert_element_type3A = arith.truncf %get3A_6 : vector<256x256xf32> to vector<256x256xbf16>
    %convert_element_type3A_10 = arith.truncf %get3A_9 : vector<256x2048xf32> to vector<256x2048xbf16>
    %dot_general3A = arith.constant dense<0.000000e+00> : vector<256x2048xf32>
    %dot_general3A_11 = tpu.matmul %convert_element_type3A, %convert_element_type3A_10, %dot_general3A {dimension_numbers = #tpu.dot_dimension_numbers<[1], [0], [0], [1], [0, 0, 1, 1], [], []>, transpose_lhs_hint = false} : vector<256x256xbf16>, vector<256x2048xbf16>, vector<256x2048xf32> -> vector<256x2048xf32>
    %add3A = vector.broadcast %get3A_1 : vector<1x2048xf32> to vector<256x2048xf32>
    %add3A_12 = arith.addf %dot_general3A_11, %add3A : vector<256x2048xf32>
    %jit3A = arith.constant -1.000000e+30 : f32
    %broadcast_in_dim3A = vector.shape_cast %gt3A_3 : vector<1x2048xi1> to vector<1x2048xi1>
    %broadcast_in_dim3A_13 = vector.broadcast %broadcast_in_dim3A : vector<1x2048xi1> to vector<256x2048xi1>
    %broadcast_in_dim3A_14 = vector.broadcast %jit3A : f32 to vector<256x2048xf32>
    %select_n3A = arith.select %broadcast_in_dim3A_13, %add3A_12, %broadcast_in_dim3A_14 : vector<256x2048xi1>, vector<256x2048xf32>
    %eq3A = arith.constant 0 : i32
    %eq3A_15 = arith.cmpi eq, %arg0, %eq3A : i32
    %convert_element_type3A_16 = arith.extui %eq3A_15 : i1 to i32
    %cond3A = arith.constant 0 : i32
    %cond3A_17 = arith.cmpi ne, %convert_element_type3A_16, %cond3A : i32
    scf.if %cond3A_17 {
      %eq3A_23 = arith.constant 0 : i32
      %eq3A_24 = arith.cmpi eq, %arg1, %eq3A_23 : i32
      %convert_element_type3A_25 = arith.extui %eq3A_24 : i1 to i32
      %cond3A_26 = arith.constant 0 : i32
      %cond3A_27 = arith.cmpi ne, %convert_element_type3A_25, %cond3A_26 : i32
      scf.if %cond3A_27 {
        %broadcast_in_dim3A_41 = arith.constant 0.000000e+00 : f32
        %broadcast_in_dim3A_42 = vector.broadcast %broadcast_in_dim3A_41 : f32 to vector<256x1xf32>
        %swap3A_43 = arith.constant 0 : index
        %swap3A_44 = arith.constant 0 : index
        %swap3A_45 = vector.load %arg6[%swap3A_43, %swap3A_44] : memref<256x1xf32, #tpu.memory_space<vmem>>, vector<256x1xf32>
        tpu.vector_store %arg6[%swap3A_43, %swap3A_44], %broadcast_in_dim3A_42 {strides = array<i32>} : memref<256x1xf32, #tpu.memory_space<vmem>>, vector<256x1xf32>,
      } else {
      }
      %get3A_28 = arith.constant 0 : index
      %get3A_29 = arith.constant 0 : index
      %get3A_30 = vector.load %arg6[%get3A_28, %get3A_29] : memref<256x1xf32, #tpu.memory_space<vmem>>, vector<256x1xf32>
      %exp3A = math.exp %select_n3A : vector<256x2048xf32>
      %reduce_sum3A = arith.constant dense<0.000000e+00> : vector<256xf32>
      %reduce_sum3A_31 = vector.multi_reduction <add>, %exp3A, %reduce_sum3A [1] : vector<256x2048xf32> to vector<256xf32>
      %broadcast_in_dim3A_32 = vector.shape_cast %reduce_sum3A_31 : vector<256xf32> to vector<256x1xf32>
      %add3A_33 = arith.addf %get3A_30, %broadcast_in_dim3A_32 : vector<256x1xf32>
      %swap3A = arith.constant 0 : index
      %swap3A_34 = arith.constant 0 : index
      %swap3A_35 = vector.load %arg6[%swap3A, %swap3A_34] : memref<256x1xf32, #tpu.memory_space<vmem>>, vector<256x1xf32>
      tpu.vector_store %arg6[%swap3A, %swap3A_34], %add3A_33 {strides = array<i32>} : memref<256x1xf32, #tpu.memory_space<vmem>>, vector<256x1xf32>,
      %eq3A_36 = arith.constant 48 : i32
      %eq3A_37 = arith.cmpi eq, %arg1, %eq3A_36 : i32
      %convert_element_type3A_38 = arith.extui %eq3A_37 : i1 to i32
      %cond3A_39 = arith.constant 0 : i32
      %cond3A_40 = arith.cmpi ne, %convert_element_type3A_38, %cond3A_39 : i32
      scf.if %cond3A_40 {
        %get3A_41 = arith.constant 0 : index
        %get3A_42 = arith.constant 0 : index
        %get3A_43 = vector.load %arg6[%get3A_41, %get3A_42] : memref<256x1xf32, #tpu.memory_space<vmem>>, vector<256x1xf32>
        %div3A = arith.constant 1.000000e+00 : f32
        %div3A_44 = vector.broadcast %div3A : f32 to vector<256x1xf32>
        %div3A_45 = arith.divf %div3A_44, %get3A_43 : vector<256x1xf32>
        %swap3A_46 = arith.constant 0 : index
        %swap3A_47 = arith.constant 0 : index
        %swap3A_48 = vector.load %arg6[%swap3A_46, %swap3A_47] : memref<256x1xf32, #tpu.memory_space<vmem>>, vector<256x1xf32>
        tpu.vector_store %arg6[%swap3A_46, %swap3A_47], %div3A_45 {strides = array<i32>} : memref<256x1xf32, #tpu.memory_space<vmem>>, vector<256x1xf32>,
      } else {
      }
    } else {
    }
    %eq3A_18 = arith.constant 1 : i32
    %eq3A_19 = arith.cmpi eq, %arg0, %eq3A_18 : i32
    %convert_element_type3A_20 = arith.extui %eq3A_19 : i1 to i32
    %cond3A_21 = arith.constant 0 : i32
    %cond3A_22 = arith.cmpi ne, %convert_element_type3A_20, %cond3A_21 : i32
    scf.if %cond3A_22 {
      %exp3A = math.exp %select_n3A : vector<256x2048xf32>
      %get3A_23 = arith.constant 0 : index
      %get3A_24 = arith.constant 0 : index
      %get3A_25 = vector.load %arg6[%get3A_23, %get3A_24] : memref<256x1xf32, #tpu.memory_space<vmem>>, vector<256x1xf32>
      %mul3A = vector.broadcast %get3A_25 : vector<256x1xf32> to vector<256x2048xf32>
      %mul3A_26 = arith.mulf %exp3A, %mul3A : vector<256x2048xf32>
      %swap3A = arith.constant 0 : index
      %swap3A_27 = arith.constant 0 : index
      %swap3A_28 = vector.load %arg5[%swap3A, %swap3A_27] : memref<256x2048xf32, #tpu.memory_space<vmem>>, vector<256x2048xf32>
      tpu.vector_store %arg5[%swap3A, %swap3A_27], %mul3A_26 {strides = array<i32>} : memref<256x2048xf32, #tpu.memory_space<vmem>>, vector<256x2048xf32>,
    } else {
    }
    return
  }
  func.func @transform_0(%arg0: i32, %arg1: i32) -> (i32, i32) {
    %c0_i32 = arith.constant 0 : i32
    %c0_i32_0 = arith.constant 0 : i32
    %c0_i32_1 = arith.constant 0 : i32
    return %c0_i32, %c0_i32_0 : i32, i32
  }
  func.func @transform_1(%arg0: i32, %arg1: i32) -> (i32, i32) {
    %c0_i32 = arith.constant 0 : i32
    %c0_i32_0 = arith.constant 0 : i32
    return %c0_i32, %arg1 : i32, i32
  }
  func.func @transform_2(%arg0: i32, %arg1: i32) -> (i32, i32) {
    %c0_i32 = arith.constant 0 : i32
    %c0_i32_0 = arith.constant 0 : i32
    return %c0_i32, %arg1 : i32, i32
  }
  func.func @transform_3(%arg0: i32, %arg1: i32) -> (i32, i32) {
    %eq3A = arith.constant 0 : i32
    %eq3A_0 = arith.cmpi eq, %arg0, %eq3A : i32
    %jit3A = arith.constant 0 : i32
    %select_n3A = arith.select %eq3A_0, %jit3A, %arg1 : i32
    %c0_i32 = arith.constant 0 : i32
    %c0_i32_1 = arith.constant 0 : i32
    return %c0_i32, %select_n3A : i32, i32
  }
}

</mosaic_0001>

<sc_bundles>
// kernel: kernel.6.cloned.1.call-start
scs
__scs_entry_jumppad:
0x0: {  	(pc) =	sbr.rel $0x88, $3  }
0x1: {  	(tag) =	ssettag $0x0;
	lr =	simm.s32 $0x1  }
0x2: {  	[smem:$0x3F95] =	sst lr;
	_ =	strace $0xD0000000  }
0x3: {  	_ = 	snop  }
0x4: {  	_ = 	snop  }
0x5: {  	_ = 	snop  }
0x6: {  	_ = 	snop  }
0x7: {  	_ = 	snop  }
__scs_overlays_trampoline_lowered:
0x8: {  	[smem:$0x3FA4] =	sst s0  }
0x9: {  	[smem:$0x3FA5] =	sst s1  }
0xa: {  	[smem:$0x3FA6] =	sst s2  }
0xb: {  	[smem:$0x3FA7] =	sst s3  }
0xc: {  	[smem:$0x3FA8] =	sst s4  }
0xd: {  	[smem:$0x3FA9] =	sst s5  }
0xe: {  	[smem:$0x3FAA] =	sst s6  }
0xf: {  	[smem:$0x3FAB] =	sst s7  }
0x10: {  	[smem:$0x3FAC] =	sst s8  }
0x11: {  	[smem:$0x3FAD] =	sst s9;
	s0 =	simm.s32 @!p0 $0x0  }
0x12: {  	s1 =	sld [smem:$0x3F93];
	s0 =	simm.s32 @p0 $0x1  }
0x13: {  	[smem:$0x3FAE] =	sst s0;
	s0 =	simm.s32 @!p1 $0x0  }
0x14: {  	s2 =	sld [smem:$0x3F92];
	s0 =	simm.s32 @p1 $0x1  }
0x15: {  	[smem:$0x3FAF] =	sst s0;
	s0 =	simm.s32 @!p2 $0x0  }
0x16: {  	s3 =	sld [smem:$0x3FDB];
	s0 =	simm.s32 @p2 $0x1  }
0x17: {  	s4 =	simm.s32 $0x1BF5;
	[smem:$0x3FB1] =	sst s0  }
0x18: {  	s0 =	sld [smem:$0x3F94];
	_ =	swait.ge [sflag:s4], $0x0  }
0x19: {  	s7 =	sld [smem:$0x3F95]  }
0x1a: {  	s8 =	sadd.s32 $0xFFFFE003, lr  }
0x1b: {  	s9 =	sadd.s32 $0xFFFFFEF7, lr;
	s5 =	simm.s32 $0xFFFFFFFF;
	p2 =	slt.u32 s8, $0xFFFFF086  }
0x1c: {  	p1 =	slt.u32 s9, $0xF7A;
	s5 =	simm.s32 @!p2 $0x0  }
0x1d: {  	s5 =	simm.s32 @p1 $0x1;
	p0 =	seq.s32 s7, s2  }
0x1e: {  	s7 =	smul.u32 @!p0 $0xF7A, s2;
	p2 =	seq.s32 @!p0 s5, $0x0  }
0x1f: {  	s9 =	smul.u32 $0xF7A, s1;
	s8 =	simm.s32 @!p0 $0x1BF5;
	p2 =	por !p2, p0  }
0x20: {  	[sflag:s8] =	ssyncset.s32 @!p0 $0xFFFFF086;
	s6 =	sadd.s32 @!p0 s3, s7;
	s7 =	simm.s32 @!p0 $0x108  }
0x21: {  	s3 =	sadd.s32 s3, s9;
	s6 =	sadd.s32 @!p0 $0x88, s6;
	s7 =	simm.s32 @p2 $0x1082  }
0x22: {  	[simem:s7], [sflag:s8] =	dma.local @!p0 [hbm:s6], $0xF7A  }
0x23: {  	s9 =	sor.u32 $0xD0000000, s2;
	s6 =	simm.s32 $0x108;
	_ =	swait.ge @!p0 [sflag:s8], $0x0  }
0x24: {  	s3 =	sadd.s32 $0x88, s3;
	s6 =	simm.s32 @!p1 $0x1082;
	[sflag:s4] =	ssyncset.s32 $0xFFFFF086  }
0x25: {  	[simem:s6], [sflag:s4] =	dma.local [hbm:s3], $0xF7A  }
0x26: {  	[smem:$0x3F95] =	sst s1;
	(tag) =	ssettag s2;
	_ =	strace s9  }
0x27: {  	s1 =	sld [smem:$0x3FA5]  }
0x28: {  	s2 =	sld [smem:$0x3FA6]  }
0x29: {  	s4 =	sld [smem:$0x3FA8]  }
0x2a: {  	p0 =	seq.s32 s5, $0x0;
	s5 =	sld [smem:$0x3FA9]  }
0x2b: {  	s6 =	sld [smem:$0x3FAA]  }
0x2c: {  	s7 =	sld [smem:$0x3FAB]  }
0x2d: {  	s3 =	simm.s32 $0x108;
	s8 =	sld [smem:$0x3FAC]  }
0x2e: {  	s3 =	simm.s32 @!p0 $0x1082;
	s9 =	sld [smem:$0x3FAD]  }
0x2f: {  	lr =	sadd.s32 s0, s3;
	s0 =	sld [smem:$0x3FA4]  }
0x30: {  	s3 =	sld [smem:$0x3FA7]  }
0x31: {  	[smem:$0x3FB0] =	sst s10  }
0x32: {  	s10 =	sld [smem:$0x3FAE];
	_ =	sdelay $0x3  }
0x33: {  	p0 =	seq.s32 s10, $0x1;
	s10 =	sld [smem:$0x3FB0];
	_ =	sdelay $0x3  }
0x34: {  	[smem:$0x3FB0] =	sst s10  }
0x35: {  	s10 =	sld [smem:$0x3FAF];
	_ =	sdelay $0x3  }
0x36: {  	p1 =	seq.s32 s10, $0x1;
	s10 =	sld [smem:$0x3FB0];
	_ =	sdelay $0x3  }
0x37: {  	[smem:$0x3FB0] =	sst s10  }
0x38: {  	s10 =	sld [smem:$0x3FB1]  }
0x39: {  	_ = 	snop;
	(pc) =	sbr.ind lr, $3  }
0x3a: {  	_ = 	snop  }
0x3b: {  	_ = 	snop  }
0x3c: {  	p2 =	seq.s32 s10, $0x1;
	s10 =	sld [smem:$0x3FB0]  }
0x3d: {  	_ =	shalt  }
0x3e: {  	_ =	shalt  }
0x3f: {  	_ =	shalt  }
0x40: {  	_ =	shalt  }
0x41: {  	_ =	shalt  }
0x42: {  	_ =	shalt  }
0x43: {  	_ =	shalt  }
0x44: {  	_ =	shalt  }
0x45: {  	_ =	shalt  }
0x46: {  	_ =	shalt  }
0x47: {  	_ =	shalt  }
0x48: {  	_ =	shalt  }
0x49: {  	_ =	shalt  }
0x4a: {  	_ =	shalt  }
0x4b: {  	_ =	shalt  }
0x4c: {  	_ =	shalt  }
0x4d: {  	_ =	shalt  }
0x4e: {  	_ =	shalt  }
0x4f: {  	_ =	shalt  }
0x50: {  	_ =	shalt  }
0x51: {  	_ =	shalt  }
0x52: {  	_ =	shalt  }
0x53: {  	_ =	shalt  }
0x54: {  	_ =	shalt  }
0x55: {  	_ =	shalt  }
0x56: {  	_ =	shalt  }
0x57: {  	_ =	shalt  }
0x58: {  	_ =	shalt  }
0x59: {  	_ =	shalt  }
0x5a: {  	_ =	shalt  }
0x5b: {  	_ =	shalt  }
0x5c: {  	_ =	shalt  }
0x5d: {  	_ =	shalt  }
0x5e: {  	_ =	shalt  }
0x5f: {  	_ =	shalt  }
0x60: {  	_ =	shalt  }
0x61: {  	_ =	shalt  }
0x62: {  	_ =	shalt  }
0x63: {  	_ =	shalt  }
0x64: {  	_ =	shalt  }
0x65: {  	_ =	shalt  }
0x66: {  	_ =	shalt  }
0x67: {  	_ =	shalt  }
0x68: {  	_ =	shalt  }
0x69: {  	_ =	shalt  }
0x6a: {  	_ =	shalt  }
0x6b: {  	_ =	shalt  }
0x6c: {  	_ =	shalt  }
0x6d: {  	_ =	shalt  }
0x6e: {  	_ =	shalt  }
0x6f: {  	_ =	shalt  }
0x70: {  	_ =	shalt  }
0x71: {  	_ =	shalt  }
0x72: {  	_ =	shalt  }
0x73: {  	_ =	shalt  }
0x74: {  	_ =	shalt  }
0x75: {  	_ =	shalt  }
0x76: {  	_ =	shalt  }
0x77: {  	_ =	shalt  }
0x78: {  	_ =	shalt  }
0x79: {  	_ =	shalt  }
0x7a: {  	_ =	shalt  }
0x7b: {  	_ =	shalt  }
0x7c: {  	_ =	shalt  }
0x7d: {  	_ =	shalt  }
0x7e: {  	_ =	shalt  }
0x7f: {  	_ =	shalt  }
0x80: {  	_ =	shalt  }
0x81: {  	_ =	shalt  }
0x82: {  	_ =	shalt  }
0x83: {  	_ =	shalt  }
0x84: {  	_ =	shalt  }
0x85: {  	_ =	shalt  }
0x86: {  	_ =	shalt  }
0x87: {  	_ =	shalt  }
.Lfunc_end0:
.L_simem_size_0:
called_computation_lowered:
.L_overlay_start_0:
0x88: {  	s2 =	sld [smem:$0x3FD9]  }
0x89: {  	s3 =	sld [smem:$0x3FFE];
	_ =	sdelay $0x1  }
0x8a: {  	s1 =	srdreg.scid  }
0x8b: {  	s0 =	sand.u32 $0x1, s1  }
0x8c: {  	s18 =	sshll.u32 s0, $0xA;
	s2 =	sadd.s32 s3, s2  }
0x8d: {  	s2 =	sadd.s32 s2, s18  }
0x8e: {  	[smem:$0x3FBC] =	sst s2  }
0x8f: {  	_ = 	snop  }
0x90: {  	s2 =	sld [smem:$0x3FC8]  }
0x91: {  	s19 =	sld [smem:$0x3FC6]  }
0x92: {  	s4 =	sld [smem:$0x3FD0];
	(tm) =	ssettm $0x1  }
0x93: {  	s5 =	sld [smem:$0x3FFB];
	_ =	sdelay $0x3  }
0x94: {  	_ =	strace s5  }
0x95: {  	s5 =	sld [smem:$0x3FFC];
	_ =	sdelay $0x3  }
0x96: {  	_ =	strace s5  }
0x97: {  	s5 =	sld [smem:$0x3FFD];
	_ =	sdelay $0x3  }
0x98: {  	_ =	strace s5  }
0x99: {  	_ =	strace $0x8FFFFFFF  }
0x9a: {  	s20 =	sld [smem:$0x3FDB];
	_ =	sdelay $0x1  }
0x9b: {  	s6 =	simm.s32 $_scs_section_size  }
0x9c: {  	s7 =	simm.s32 $_size__tile_overlayer_lowered;
	s8 =	simm.s32 $_tile_overlayer_lowered  }
0x9d: {  	s23 =	simm.s32 $0x1BFF;
	s22 =	sshll.u32 s8, $0x1;
	s5 =	sadd.s32 s6, s20  }
0x9e: {  	s9 =	simm.s32 $0x0;
	s21 =	sshll.u32 s7, $0x1;
	s7 =	sadd.s32 s22, s5  }
0x9f: {  	[timem:s9], [sflag:s23] =	dma.local [hbm:s7], s21  }
0xa0: {  	_ =	swait.ge [sflag:s23], s21  }
0xa1: {  	s6 =	ssub.s32 $0x0, s21;
	[sflag:s23] =	ssyncset.done $0x0  }
0xa2: {  	[sflag:s23] =	ssyncadd.s32 s6;
	_ =	sdelay $0x1  }
0xa3: {  	s24 =	simm.s32 $0x1B8B  }
0xa4: {  	_ =	swait.ge [sflag:s24], $0x1  }
0xa5: {  	[sflag:s24] =	ssyncset.done $0x0  }
0xa6: {  	s25 =	simm.s32 $0x1B8E;
	[sflag:s24] =	ssyncadd.s32 $0xFFFFFFFF  }
0xa7: {  	s26 =	simm.s32 $execute0_lowered;
	[smem:$0x3FD2] =	sst s25  }
0xa8: {  	s6 =	sshll.u32 s26, $0x1;
	_ =	strace $0x80000046;
	[dreg:$0x1] =	wrdreg $0xFFFFFFFF  }
0xa9: {  	s28 =	simm.s32 $_size_execute0_lowered;
	s5 =	sadd.s32 s5, s6;
	[dreg:$0x0] =	wrdreg $0x0  }
0xaa: {  	s6 =	sshll.u32 s28, $0x1;
	[dreg:$0x2] =	wrdreg s5  }
0xab: {  	[dreg:$0x3] =	wrdreg s6  }
0xac: {  	[dreg:$0x4] =	wrdreg $0xC0  }
0xad: {  	_ =	task [dreg:s9], $0x5FFFF  }
0xae: {  	[dreg:$0x1] =	wrdreg $0xFFFFFFFF  }
0xaf: {  	[dreg:$0x0] =	wrdreg $0x60  }
0xb0: {  	[dreg:$0x2] =	wrdreg s19  }
0xb1: {  	[dreg:$0x3] =	wrdreg s2  }
0xb2: {  	[dreg:$0x4] =	wrdreg s4  }
0xb3: {  	[dreg:$0x5] =	wrdreg $0x9  }
0xb4: {  	_ =	task.clear_ibuf [dreg:s9], $0x6FFFF;
	_ =	strace $0x90000046  }
0xb5: {  	s29 =	simm.s32 $0x9;
	_ =	strace $0x80000048  }
0xb6: {  	_ =	swait.ge [sflag:s29], $0x1  }
0xb7: {  	[sflag:s29] =	ssyncadd.s32 $0xFFFFFFFF  }
0xb8: {  	_ =	strace $0x90000048  }
0xb9: {  	_ =	sfence  }
0xba: {  	s30 =	sld [smem:$0x0];
	_ =	sdelay $0x2  }
0xbb: {  	s31 =	sshll.u32 s1, $0xD;
	s1 =	sshrl.u32 s1, $0x2  }
0xbc: {  	s3 =	sand.u32 $0x4000, s31;
	s1 =	sadd.s32 s1, s30  }
0xbd: {  	s0 =	sor.u32 s3, s0;
	s1 =	sshll.u32 s1, $0x11  }
0xbe: {  	s0 =	sor.u32 s1, s0  }
0xbf: {  	s0 =	sadd.s32 $0x8F2B, s0  }
0xc0: {  	[sflag:s0] =	ssyncadd.remote.s32 $0x1  }
0xc1: {  	_ =	sfence.sel $0xFFFF  }
0xc2: {  	[dreg:$0x0] =	wrdreg $0xFFFFFFFF;
	(pc) =	sbr.abs _section_cstart, $3  }
0xc3: {  	[dreg:$0x1] =	wrdreg $0xFFFFFFFF  }
0xc4: {  	_ =	task.clear_ibuf [dreg:s9], $0x2FFFF;
	_ =	strace $0x9FFFFFFF  }
0xc5: {  	(tm) =	ssettm $0x7FFFFFFF  }
tec
execute0_lowered:
.L_overlay_start_1:
0x0: {  	(tag) =	ssettag $0x1  }
0x1: {  	s1 =	rddreg [dreg:$0x0];
	s2 =	srdreg.scid  }
0x2: {  	s4 =	rddreg [dreg:$0x1];
	s0 =	stileid.u32;
	s6 =	sand.u32 $0x1, s2  }
0x3: {  	s8 =	rddreg [dreg:$0x2];
	s5 =	sshll.u32 s0, $0x4;
	s7 =	sshll.u32 s6, $0x3  }
0x4: {  	s3 =	simm.s32 $0x0;
	s2 =	rddreg [dreg:$0x3];
	s9 =	sor.u32 s7, s5  }
0x5: {  	[smem:$0x7FF] =	sst s3;
	s5 =	sshrl.u32 s9, $0x3  }
0x6: {  	_ =	strace $0x80000047;
	s5 =	sadd.s32 s4, s5;
	s4 =	simm.s32 $0x2  }
0x7: {  	[tilespmem:s3], [sflag:$0x2] =	stream.linear.gather [hbm4b:s5+s3], $0x8, $0x38;
	[tilespmem:$0x880] =	vst v63  }
0x8: {  	_ =	swait.ge [sflag:s4], $0x8  }
0x9: {  	[sflag:s4] =	ssyncset.done $0x0  }
0xa: {  	[sflag:s4] =	ssyncadd.s32 $0xFFFFFFF8  }
0xb: {  	v0 =	vld.msk [tilespmem:$0x0], $0xff;
	_ =	sdelay $0x4  }
0xc: {  	v1 =	vshll.u32 v0, $0x1  }
0xd: {  	v2 =	vlaneseq.u32;
	v3 =	vand.u32 $0x7, v0;
	v1 =	vand.u32 $0xFFFFFFF0, v1  }
0xe: {  	v0 =	vand.u32 $0x7, v2;
	v2 =	vshrl.u32 v2, $0x3;
	v3 =	vor.u32 v3, v1  }
0xf: {  	v1 =	vmul.u32 $0x8, v2;
	v2 =	vperm.xlane v3, v0;
	_ =	sdelay $0x1  }
0x10: {  	v2 =	vadd.s32 v1, v2  }
0x11: {  	s10 =	ssub.s32 $0x2, s6  }
0x12: {  	s11 =	sshrl.u32 s10, $0x1  }
0x13: {  	s10 =	ssub.s32 s10, s11  }
0x14: {  	vm0 =	vmmov $0xffff;
	s6 =	simm.s32 $0x80;
	s7 =	simm.s32 $0x1;
	s31 =	smax.u32 s10, $0x1  }
0x15: {  	[tilespmem:s6], [sflag:$0x1] =	stream.indirect_vreg.gather [hbm4b:s1+s3], $0x80, v2, vm0, $0xb8;
	[tilespmem:$0x880] =	vst v63  }
0x16: {  	p0 =	sne.s32 s31, $0x1;
	_ =	swait.ge [sflag:s7], $0x800  }
.Ltmp0:
0x17: {  	s9 =	sshll.u32 s9, $0x5;
	[sflag:s7] =	ssyncset.done $0x0;
	(pc) =	sbr.rel @!p0 .LBB2_2-.Ltmp0, $4  }
0x18: {  	s8 =	sadd.s32 s8, s9;
	[sflag:s7] =	ssyncadd.s32 $0xFFFFF800  }
0x19: {  	[hbm4b:s8+s3] =	stream.linear.scatter [tilespmem:s6], [sflag:$0x2], $0x800, $0x38;
	[tilespmem:$0x880] =	vst v63  }
0x1a: {  	_ =	swait.ge [sflag:s4], $0x800  }
0x1b: {  	s9 =	sadd.s32 $0xFFFFFFFF, s31;
	[sflag:s4] =	ssyncset.done $0x0  }
.LBB2_1:
0x1c: {  	p0 =	sne.s32 s9, $0x1;
	s9 =	sadd.s32 $0xFFFFFFFF, s9;
	[sflag:s4] =	ssyncadd.s32 $0xFFFFF800  }
0x1d: {  	[tilespmem:s3], [sflag:$0x2] =	stream.linear.gather [hbm4b:s5+s3], $0x8, $0x38;
	[tilespmem:$0x880] =	vst v63  }
0x1e: {  	_ =	swait.ge [sflag:s4], $0x8  }
0x1f: {  	[sflag:s4] =	ssyncset.done $0x0  }
0x20: {  	[sflag:s4] =	ssyncadd.s32 $0xFFFFFFF8  }
0x21: {  	v2 =	vld.msk [tilespmem:$0x0], $0xff;
	_ =	sdelay $0x4  }
0x22: {  	v3 =	vshll.u32 v2, $0x1  }
0x23: {  	v2 =	vand.u32 $0x7, v2;
	v3 =	vand.u32 $0xFFFFFFF0, v3  }
0x24: {  	v2 =	vor.u32 v2, v3  }
0x25: {  	v2 =	vperm.xlane v2, v0;
	_ =	sdelay $0x1  }
0x26: {  	v2 =	vadd.s32 v1, v2;
	_ =	sdelay $0x4  }
0x27: {  	[tilespmem:s6], [sflag:$0x1] =	stream.indirect_vreg.gather [hbm4b:s1+s3], $0x80, v2, vm0, $0xb8;
	[tilespmem:$0x880] =	vst v63  }
0x28: {  	_ =	swait.ge [sflag:s7], $0x800  }
.Ltmp1:
0x29: {  	[sflag:s7] =	ssyncset.done $0x0;
	(pc) =	sbr.rel @p0 .LBB2_1-.Ltmp1, $4  }
0x2a: {  	[sflag:s7] =	ssyncadd.s32 $0xFFFFF800  }
0x2b: {  	[hbm4b:s8+s3] =	stream.linear.scatter [tilespmem:s6], [sflag:$0x2], $0x800, $0x38;
	[tilespmem:$0x880] =	vst v63  }
0x2c: {  	_ =	swait.ge [sflag:s4], $0x800  }
0x2d: {  	[sflag:s4] =	ssyncset.done $0x0  }
.LBB2_2:
0x2e: {  	[sflag:s4] =	ssyncadd.s32 $0xFFFFF800  }
0x2f: {  	_ =	sfence.sel $0x180000  }
0x30: {  	[bflag:$0x0] =	sbarrier.arrive $0xFFFF  }
0x31: {  	p0 =	sne.s32 s0, $0x0;
	_ =	strace $0x90000047  }
0x32: {  	s0 =	sadd.s32 @!p0 $0x100000, s2;
	[bflag:$0x2] =	sbarrier.arrive $0xFFFF  }
0x33: {  	[sflag:s0] =	ssyncadd.tile.s32 @!p0 $0x1;
	_ =	shalt  }
.Lfunc_end2:
_tile_overlayer_lowered:
.L_overlay_start_2:
0x34: {  	(tag) =	ssettag $0x2  }
0x35: {  	s0 =	rddreg [dreg:$0x0];
	s2 =	stileid.u32  }
0x36: {  	s1 =	rddreg [dreg:$0x1];
	p0 =	sne.s32 s2, $0x0  }
0x37: {  	s3 =	rddreg [dreg:$0x2];
	[bflag:$0x3] =	sbarrier.arrive $0xFFFF;
	s2 =	simm.s32 @!p0 $0x1C02  }
0x38: {  	[timem:s3], [sflag:s2] =	dma.local @!p0 [hbm:s0], s1  }
0x39: {  	s0 =	simm.s32 @!p0 $0x2  }
0x3a: {  	_ =	swait.ge @!p0 [sflag:s0], s1  }
0x3b: {  	s1 =	ssub.s32 @!p0 $0x0, s1;
	[sflag:s0] =	ssyncset.done @!p0 $0x0  }
0x3c: {  	[sflag:s0] =	ssyncadd.s32 @!p0 s1  }
0x3d: {  	[bflag:$0x3] =	sbarrier.arrive $0xFFFF  }
0x3e: {  	_ =	shalt  }

</sc_bundles>
